<compile_context>
chip_gen: v7x
topology: tpu7x:2x2x1
jax: 0.10.2.dev20260603
libtpu: 0.0.44.dev20260713+nightly
codegen_flags: <defaults>
</compile_context>

<pallas_src>
import functools

import jax
import jax.numpy as jnp
from jax import lax
from jax.experimental import pallas as pl
from jax.experimental.pallas import tpu as pltpu
from jax.experimental.pallas import tpu_sc as plsc

ALPHA = 0.7
TAU_SENT = 1.0

_NC = 2
_NS = 16
_L = 16


def _sc_gather(x1_hbm, t_hbm, out_hbm, t_v, flat_v, val_v, sem):
    bpw = t_v.shape[0]
    wid = lax.axis_index("s") * _NC + lax.axis_index("c")
    base = wid * bpw
    V = x1_hbm.shape[0] // t_hbm.shape[0]

    pltpu.sync_copy(t_hbm.at[pl.ds(base, bpw)], t_v)
    for j in range(bpw // _L):
        r16 = lax.iota(jnp.int32, _L) + (base + j * _L)
        flat_v[pl.ds(j * _L, _L)] = r16 * V + t_v[pl.ds(j * _L, _L)]
    pltpu.async_copy(x1_hbm.at[flat_v], val_v, sem).wait()
    pltpu.sync_copy(val_v, out_hbm.at[pl.ds(base, bpw)])


def _loss_body(x_ref, t_ref, m_ref, tv_ref, ml_ref, tot_ref, acc_ref):
    i = pl.program_id(0)
    nb = pl.num_programs(0)
    x = x_ref[0]
    t = t_ref[0]
    m = m_ref[0]
    tv = tv_ref[0]
    S, V = x.shape

    iota = lax.broadcasted_iota(jnp.int32, (S, V), 1)
    maxv = jnp.max(x, axis=1, keepdims=True)
    idx = jnp.min(jnp.where(x == maxv, iota, V), axis=1,
                  keepdims=True)
    match = (idx == t).astype(jnp.float32)

    sent = jnp.exp(jnp.sum(match, axis=0, keepdims=True)
                   * (1.0 / (S * TAU_SENT)))
    mlp = jnp.sum(tv * m, axis=0, keepdims=True)
    msp = jnp.sum(m, axis=0, keepdims=True)
    outp = sent * jnp.sum(maxv * m, axis=0, keepdims=True)
    denp = sent * msp

    @pl.when(i == 0)
    def _init():
        acc_ref[...] = jnp.zeros_like(acc_ref)

    acc_ref[0:1, 0:1] += mlp
    acc_ref[1:2, 0:1] += msp
    acc_ref[2:3, 0:1] += outp
    acc_ref[3:4, 0:1] += denp

    @pl.when(i == nb - 1)
    def _finish():
        ml = -acc_ref[0:1, 0:1] / acc_ref[1:2, 0:1]
        out = -acc_ref[2:3, 0:1] / acc_ref[3:4, 0:1]
        ml_ref[...] = ml
        tot_ref[...] = ALPHA * out + (1.0 - ALPHA) * ml


def kernel(input, target, mask):
    B, S, V = input.shape
    R = B * S
    t_flat = target.astype(jnp.int32).reshape(R)
    bpw = R // (_NC * _NS)

    sc = pl.kernel(
        functools.partial(_sc_gather),
        out_type=jax.ShapeDtypeStruct((R,), jnp.float32),
        mesh=plsc.VectorSubcoreMesh(core_axis_name="c", subcore_axis_name="s"),
        scratch_types=[
            pltpu.VMEM((bpw,), jnp.int32),
            pltpu.VMEM((bpw,), jnp.int32),
            pltpu.VMEM((bpw,), jnp.float32),
            pltpu.SemaphoreType.DMA,
        ],
    )
    tvals = sc(input.reshape(R * V), t_flat)

    t3 = t_flat.reshape(B, S, 1)
    m3 = mask.astype(jnp.float32).reshape(B, S, 1)
    tv3 = tvals.reshape(B, S, 1)

    ml, tot = pl.pallas_call(
        _loss_body,
        grid=(B,),
        in_specs=[
            pl.BlockSpec((1, S, V), lambda i: (i, 0, 0)),
            pl.BlockSpec((1, S, 1), lambda i: (i, 0, 0)),
            pl.BlockSpec((1, S, 1), lambda i: (i, 0, 0)),
            pl.BlockSpec((1, S, 1), lambda i: (i, 0, 0)),
        ],
        out_specs=[
            pl.BlockSpec((1, 1), lambda i: (0, 0)),
            pl.BlockSpec((1, 1), lambda i: (0, 0)),
        ],
        out_shape=[
            jax.ShapeDtypeStruct((1, 1), jnp.float32),
            jax.ShapeDtypeStruct((1, 1), jnp.float32),
        ],
        scratch_shapes=[pltpu.VMEM((8, 128), jnp.float32)],
    )(input, t3, m3, tv3)
    return (ml.reshape(()), tot.reshape(()))

# --- scband reference (transcript-rebuilt; emitter-appended) ---
"""Pipeline reference for scband-sent-smooth-criterion-5755256177165 (READ-ONLY COPY).

The authoritative reference and input builder live on the scoring server;
editing this copy changes nothing except your own understanding.
"""

import jax, jax.numpy as jnp
import numpy as np

ALPHA = 0.7
TAU_SENT = 1.0


def setup_inputs(seed: int = 0) -> dict:
    key = jax.random.key(seed)
    k1, k2 = jax.random.split(key)
    B, S, V = 64, 32, 32000
    inp = jax.random.normal(k1, (B, S, V), dtype=jnp.float32)
    target = jax.random.randint(k2, (B, S), 0, V, dtype=jnp.int64)
    mask = jnp.ones((B, S), dtype=jnp.float32)
    return {"input": inp, "target": target, "mask": mask}


def reference(input, target, mask):
    # input: [B, S, V] log-probs; target/mask: [B, S]
    seq_length = input.shape[1]
    target = target[:, :seq_length]
    mask = mask[:, :seq_length]
    V = input.shape[2]

    # ---- ML loss (get_ml_loss) ----
    inp_flat = input.reshape(-1, V)
    tgt_flat = target.reshape(-1, 1)
    mask_flat = mask.reshape(-1, 1)
    ml_out = -jnp.take_along_axis(inp_flat, tgt_flat, axis=1) * mask_flat
    ml_output = jnp.sum(ml_out) / jnp.sum(mask_flat)

    # ---- sentence-level smoothing ----
    preds = jnp.argmax(input, axis=2)  # [B, S], torch.max(...,dim=2)[1]
    # get_scores: hamming similarity per sentence (fraction of matching tokens)
    sent_scores = jnp.mean((preds == target).astype(jnp.float32), axis=1)  # [B]
    sent_scores = jnp.exp(sent_scores / TAU_SENT)  # tau_sent branch
    # preds / sent_scores are detached in the torch code (cpu().data / numpy)
    sent_scores = jax.lax.stop_gradient(sent_scores)
    smooth_target = jnp.repeat(sent_scores, seq_length).reshape(-1, 1)

    preds_flat = preds.reshape(-1, 1)
    out = -jnp.take_along_axis(inp_flat, preds_flat, axis=1) * mask_flat * smooth_target
    denom = jnp.sum(smooth_target * mask_flat)
    output = jnp.sum(out) / denom

    total = ALPHA * output + (1.0 - ALPHA) * ml_output
    return (ml_output, total)

if __name__ == "__main__":
    import jax
    _d = setup_inputs()
    print(jax.jit(kernel)(*tuple(_d.values())))

</pallas_src>

<mosaic_0001>
#map = affine_map<(d0, d1) -> (0)>
module attributes {stable_mosaic.version = 14 : i64} {
  func.func @_sc_gather(%arg0: i32, %arg1: i32, %arg2: memref<65536000xf32, #tpu.memory_space<hbm>>, %arg3: memref<2048xi32, #tpu.memory_space<hbm>>, %arg4: memref<2048xf32, #tpu.memory_space<hbm>>, %arg5: memref<64xi32, #tpu.memory_space<vmem>>, %arg6: memref<64xi32, #tpu.memory_space<vmem>>, %arg7: memref<64xf32, #tpu.memory_space<vmem>>, %arg8: memref<!tpu.dma_semaphore, #tpu.memory_space<semaphore_mem>>) attributes {dimension_semantics = [#tpu.dimension_semantics<core_parallel>, #tpu.dimension_semantics<subcore_parallel>], iteration_bounds = array<i64: 2, 16>, scalar_prefetch = 0 : i64, scratch_operands = 4 : i64, tpu.core_type = #tpu.core_type<sc_vector_subcore>, window_params = [{transform_indices = #map}, {transform_indices = #map}, {transform_indices = #map}]} {
    %mul3A = arith.constant 2 : i32
    %mul3A_0 = arith.muli %arg1, %mul3A : i32
    %add3A = arith.addi %mul3A_0, %arg0 : i32
    %mul3A_1 = arith.constant 64 : i32
    %mul3A_2 = arith.muli %add3A, %mul3A_1 : i32
    "tpu.region"() ({
      %run_scoped3A = tpu.sem_alloc : memref<!tpu.dma_semaphore, #tpu.memory_space<semaphore_mem>>
      %dma_start3A_66 = tpu.memref_slice %arg3[%mul3A_2] : memref<2048xi32, #tpu.memory_space<hbm>> -> memref<64xi32, #tpu.memory_space<hbm>>
      %dma_start3A_67 = tpu.memref_slice %arg3[%mul3A_2] : memref<2048xi32, #tpu.memory_space<hbm>> -> memref<64xi32, #tpu.memory_space<hbm>>
      tpu.enqueue_dma source(%dma_start3A_67 : memref<64xi32, #tpu.memory_space<hbm>>) target(%arg5 : memref<64xi32, #tpu.memory_space<vmem>>) target_semaphore(%run_scoped3A : memref<!tpu.dma_semaphore, #tpu.memory_space<semaphore_mem>>)
      %dma_wait3A_68 = tpu.memref_slice %arg3[%mul3A_2] : memref<2048xi32, #tpu.memory_space<hbm>> -> memref<64xi32, #tpu.memory_space<hbm>>
      %dma_wait3A_69 = tpu.memref_slice %arg3[%mul3A_2] : memref<2048xi32, #tpu.memory_space<hbm>> -> memref<64xi32, #tpu.memory_space<hbm>>
      tpu.wait_dma2 semaphore(%run_scoped3A : memref<!tpu.dma_semaphore, #tpu.memory_space<semaphore_mem>>) src(%dma_wait3A_69 : memref<64xi32, #tpu.memory_space<hbm>>) dst(%arg5 : memref<64xi32, #tpu.memory_space<vmem>>)
      tpu.yield
    }) : () -> ()
    %iota3A = tpu.iota {dimensions = array<i32: 0>} : vector<16xi32>
    %add3A_3 = arith.constant 0 : i32
    %add3A_4 = arith.addi %mul3A_2, %add3A_3 : i32
    %add3A_5 = vector.broadcast %add3A_4 : i32 to vector<16xi32>
    %add3A_6 = arith.addi %iota3A, %add3A_5 : vector<16xi32>
    %mul3A_7 = arith.constant 32000 : i32
    %mul3A_8 = vector.broadcast %mul3A_7 : i32 to vector<16xi32>
    %mul3A_9 = arith.muli %add3A_6, %mul3A_8 : vector<16xi32>
    %get3A = arith.constant 0 : index
    %get3A_10 = tpu.vector_load %arg5[%get3A] {strides = array<i32>} : memref<64xi32, #tpu.memory_space<vmem>>, vector<16xi32>,
    %get3A_11 = vector.shape_cast %get3A_10 : vector<16xi32> to vector<16xi32>
    %add3A_12 = arith.addi %mul3A_9, %get3A_11 : vector<16xi32>
    %swap3A = arith.constant 0 : index
    %swap3A_13 = tpu.vector_load %arg6[%swap3A] {strides = array<i32>} : memref<64xi32, #tpu.memory_space<vmem>>, vector<16xi32>,
    %swap3A_14 = vector.shape_cast %swap3A_13 : vector<16xi32> to vector<16xi32>
    %swap3A_15 = vector.shape_cast %add3A_12 : vector<16xi32> to vector<16xi32>
    tpu.vector_store %arg6[%swap3A], %swap3A_15 {strides = array<i32>} : memref<64xi32, #tpu.memory_space<vmem>>, vector<16xi32>,
    %iota3A_16 = tpu.iota {dimensions = array<i32: 0>} : vector<16xi32>
    %add3A_17 = arith.constant 16 : i32
    %add3A_18 = arith.addi %mul3A_2, %add3A_17 : i32
    %add3A_19 = vector.broadcast %add3A_18 : i32 to vector<16xi32>
    %add3A_20 = arith.addi %iota3A_16, %add3A_19 : vector<16xi32>
    %mul3A_21 = arith.constant 32000 : i32
    %mul3A_22 = vector.broadcast %mul3A_21 : i32 to vector<16xi32>
    %mul3A_23 = arith.muli %add3A_20, %mul3A_22 : vector<16xi32>
    %get3A_24 = arith.constant 16 : index
    %get3A_25 = tpu.vector_load %arg5[%get3A_24] {strides = array<i32>} : memref<64xi32, #tpu.memory_space<vmem>>, vector<16xi32>,
    %get3A_26 = vector.shape_cast %get3A_25 : vector<16xi32> to vector<16xi32>
    %add3A_27 = arith.addi %mul3A_23, %get3A_26 : vector<16xi32>
    %swap3A_28 = arith.constant 16 : index
    %swap3A_29 = tpu.vector_load %arg6[%swap3A_28] {strides = array<i32>} : memref<64xi32, #tpu.memory_space<vmem>>, vector<16xi32>,
    %swap3A_30 = vector.shape_cast %swap3A_29 : vector<16xi32> to vector<16xi32>
    %swap3A_31 = vector.shape_cast %add3A_27 : vector<16xi32> to vector<16xi32>
    tpu.vector_store %arg6[%swap3A_28], %swap3A_31 {strides = array<i32>} : memref<64xi32, #tpu.memory_space<vmem>>, vector<16xi32>,
    %iota3A_32 = tpu.iota {dimensions = array<i32: 0>} : vector<16xi32>
    %add3A_33 = arith.constant 32 : i32
    %add3A_34 = arith.addi %mul3A_2, %add3A_33 : i32
    %add3A_35 = vector.broadcast %add3A_34 : i32 to vector<16xi32>
    %add3A_36 = arith.addi %iota3A_32, %add3A_35 : vector<16xi32>
    %mul3A_37 = arith.constant 32000 : i32
    %mul3A_38 = vector.broadcast %mul3A_37 : i32 to vector<16xi32>
    %mul3A_39 = arith.muli %add3A_36, %mul3A_38 : vector<16xi32>
    %get3A_40 = arith.constant 32 : index
    %get3A_41 = tpu.vector_load %arg5[%get3A_40] {strides = array<i32>} : memref<64xi32, #tpu.memory_space<vmem>>, vector<16xi32>,
    %get3A_42 = vector.shape_cast %get3A_41 : vector<16xi32> to vector<16xi32>
    %add3A_43 = arith.addi %mul3A_39, %get3A_42 : vector<16xi32>
    %swap3A_44 = arith.constant 32 : index
    %swap3A_45 = tpu.vector_load %arg6[%swap3A_44] {strides = array<i32>} : memref<64xi32, #tpu.memory_space<vmem>>, vector<16xi32>,
    %swap3A_46 = vector.shape_cast %swap3A_45 : vector<16xi32> to vector<16xi32>
    %swap3A_47 = vector.shape_cast %add3A_43 : vector<16xi32> to vector<16xi32>
    tpu.vector_store %arg6[%swap3A_44], %swap3A_47 {strides = array<i32>} : memref<64xi32, #tpu.memory_space<vmem>>, vector<16xi32>,
    %iota3A_48 = tpu.iota {dimensions = array<i32: 0>} : vector<16xi32>
    %add3A_49 = arith.constant 48 : i32
    %add3A_50 = arith.addi %mul3A_2, %add3A_49 : i32
    %add3A_51 = vector.broadcast %add3A_50 : i32 to vector<16xi32>
    %add3A_52 = arith.addi %iota3A_48, %add3A_51 : vector<16xi32>
    %mul3A_53 = arith.constant 32000 : i32
    %mul3A_54 = vector.broadcast %mul3A_53 : i32 to vector<16xi32>
    %mul3A_55 = arith.muli %add3A_52, %mul3A_54 : vector<16xi32>
    %get3A_56 = arith.constant 48 : index
    %get3A_57 = tpu.vector_load %arg5[%get3A_56] {strides = array<i32>} : memref<64xi32, #tpu.memory_space<vmem>>, vector<16xi32>,
    %get3A_58 = vector.shape_cast %get3A_57 : vector<16xi32> to vector<16xi32>
    %add3A_59 = arith.addi %mul3A_55, %get3A_58 : vector<16xi32>
    %swap3A_60 = arith.constant 48 : index
    %swap3A_61 = tpu.vector_load %arg6[%swap3A_60] {strides = array<i32>} : memref<64xi32, #tpu.memory_space<vmem>>, vector<16xi32>,
    %swap3A_62 = vector.shape_cast %swap3A_61 : vector<16xi32> to vector<16xi32>
    %swap3A_63 = vector.shape_cast %add3A_59 : vector<16xi32> to vector<16xi32>
    tpu.vector_store %arg6[%swap3A_60], %swap3A_63 {strides = array<i32>} : memref<64xi32, #tpu.memory_space<vmem>>, vector<16xi32>,
    %dma_start3A = arith.constant 0 : i32
    %dma_start3A_64 = tpu.memref_slice %arg2[%dma_start3A] : memref<65536000xf32, #tpu.memory_space<hbm>> -> memref<65536000xf32, #tpu.memory_space<hbm>>
    tpu.enqueue_indirect_dma source(%dma_start3A_64 : memref<65536000xf32, #tpu.memory_space<hbm>>) target(%arg7 : memref<64xf32, #tpu.memory_space<vmem>>) offsets(%arg6 : memref<64xi32, #tpu.memory_space<vmem>>) semaphore(%arg8 : memref<!tpu.dma_semaphore, #tpu.memory_space<semaphore_mem>>)
    %dma_wait3A = arith.constant 0 : i32
    %dma_wait3A_65 = tpu.memref_slice %arg2[%dma_wait3A] : memref<65536000xf32, #tpu.memory_space<hbm>> -> memref<65536000xf32, #tpu.memory_space<hbm>>
    tpu.wait_indirect_dma semaphore(%arg8 : memref<!tpu.dma_semaphore, #tpu.memory_space<semaphore_mem>>) src(%dma_wait3A_65 : memref<65536000xf32, #tpu.memory_space<hbm>>) dst(%arg7 : memref<64xf32, #tpu.memory_space<vmem>>)
    "tpu.region"() ({
      %run_scoped3A = tpu.sem_alloc : memref<!tpu.dma_semaphore, #tpu.memory_space<semaphore_mem>>
      %dma_start3A_66 = tpu.memref_slice %arg4[%mul3A_2] : memref<2048xf32, #tpu.memory_space<hbm>> -> memref<64xf32, #tpu.memory_space<hbm>>
      %dma_start3A_67 = tpu.memref_slice %arg4[%mul3A_2] : memref<2048xf32, #tpu.memory_space<hbm>> -> memref<64xf32, #tpu.memory_space<hbm>>
      tpu.enqueue_dma source(%arg7 : memref<64xf32, #tpu.memory_space<vmem>>) target(%dma_start3A_67 : memref<64xf32, #tpu.memory_space<hbm>>) target_semaphore(%run_scoped3A : memref<!tpu.dma_semaphore, #tpu.memory_space<semaphore_mem>>)
      %dma_wait3A_68 = tpu.memref_slice %arg4[%mul3A_2] : memref<2048xf32, #tpu.memory_space<hbm>> -> memref<64xf32, #tpu.memory_space<hbm>>
      %dma_wait3A_69 = tpu.memref_slice %arg4[%mul3A_2] : memref<2048xf32, #tpu.memory_space<hbm>> -> memref<64xf32, #tpu.memory_space<hbm>>
      tpu.wait_dma2 semaphore(%run_scoped3A : memref<!tpu.dma_semaphore, #tpu.memory_space<semaphore_mem>>) src(%arg7 : memref<64xf32, #tpu.memory_space<vmem>>) dst(%dma_wait3A_69 : memref<64xf32, #tpu.memory_space<hbm>>)
      tpu.yield
    }) : () -> ()
    return
  }
}

module attributes {stable_mosaic.version = 14 : i64} {
  func.func @_loss_body(%arg0: i32, %arg1: memref<1x32x32000xf32, #tpu.memory_space<vmem>>, %arg2: memref<1x32x1xi32, #tpu.memory_space<vmem>>, %arg3: memref<1x32x1xf32, #tpu.memory_space<vmem>>, %arg4: memref<1x32x1xf32, #tpu.memory_space<vmem>>, %arg5: memref<1x1xf32, #tpu.memory_space<vmem>>, %arg6: memref<1x1xf32, #tpu.memory_space<vmem>>, %arg7: memref<8x128xf32, #tpu.memory_space<vmem>>) attributes {dimension_semantics = [#tpu.dimension_semantics<arbitrary>], iteration_bounds = array<i64: 64>, scalar_prefetch = 0 : i64, scratch_operands = 1 : i64, tpu.core_type = #tpu.core_type<tc>, window_params = [{transform_indices = @transform_0, window_bounds = array<i64: 1, 32, 32000>}, {transform_indices = @transform_1, window_bounds = array<i64: 1, 32, 1>}, {transform_indices = @transform_2, window_bounds = array<i64: 1, 32, 1>}, {transform_indices = @transform_3, window_bounds = array<i64: 1, 32, 1>}, {pipeline_mode = #tpu.pipeline_mode<synchronous>, transform_indices = @transform_4, window_bounds = array<i64: 1, 1>}, {pipeline_mode = #tpu.pipeline_mode<synchronous>, transform_indices = @transform_5, window_bounds = array<i64: 1, 1>}]} {
    %get3A = arith.constant 0 : index
    %get3A_0 = arith.constant 0 : index
    %get3A_1 = arith.constant 0 : index
    %get3A_2 = vector.load %arg1[%get3A, %get3A_0, %get3A_1] : memref<1x32x32000xf32, #tpu.memory_space<vmem>>, vector<1x32x32000xf32>
    %get3A_3 = vector.shape_cast %get3A_2 : vector<1x32x32000xf32> to vector<32x32000xf32>
    %get3A_4 = arith.constant 0 : index
    %get3A_5 = arith.constant 0 : index
    %get3A_6 = arith.constant 0 : index
    %get3A_7 = vector.load %arg2[%get3A_4, %get3A_5, %get3A_6] : memref<1x32x1xi32, #tpu.memory_space<vmem>>, vector<1x32x1xi32>
    %get3A_8 = vector.shape_cast %get3A_7 : vector<1x32x1xi32> to vector<32x1xi32>
    %get3A_9 = arith.constant 0 : index
    %get3A_10 = arith.constant 0 : index
    %get3A_11 = arith.constant 0 : index
    %get3A_12 = vector.load %arg3[%get3A_9, %get3A_10, %get3A_11] : memref<1x32x1xf32, #tpu.memory_space<vmem>>, vector<1x32x1xf32>
    %get3A_13 = vector.shape_cast %get3A_12 : vector<1x32x1xf32> to vector<32x1xf32>
    %get3A_14 = arith.constant 0 : index
    %get3A_15 = arith.constant 0 : index
    %get3A_16 = arith.constant 0 : index
    %get3A_17 = vector.load %arg4[%get3A_14, %get3A_15, %get3A_16] : memref<1x32x1xf32, #tpu.memory_space<vmem>>, vector<1x32x1xf32>
    %get3A_18 = vector.shape_cast %get3A_17 : vector<1x32x1xf32> to vector<32x1xf32>
    %iota3A = tpu.iota {dimensions = array<i32: 1>} : vector<32x32000xi32>
    %reduce_max3A = arith.constant dense<0xFF800000> : vector<32xf32>
    %reduce_max3A_19 = vector.multi_reduction <maximumf>, %get3A_3, %reduce_max3A [1] : vector<32x32000xf32> to vector<32xf32>
    %broadcast_in_dim3A = vector.shape_cast %reduce_max3A_19 : vector<32xf32> to vector<32x1xf32>
    %eq3A = vector.broadcast %broadcast_in_dim3A : vector<32x1xf32> to vector<32x32000xf32>
    %eq3A_20 = arith.cmpf oeq, %get3A_3, %eq3A : vector<32x32000xf32>
    %jit3A = arith.constant 32000 : i32
    %broadcast_in_dim3A_21 = vector.broadcast %jit3A : i32 to vector<32x32000xi32>
    %select_n3A = arith.select %eq3A_20, %iota3A, %broadcast_in_dim3A_21 : vector<32x32000xi1>, vector<32x32000xi32>
    %reduce_min3A = arith.constant dense<2147483647> : vector<32xi32>
    %reduce_min3A_22 = vector.multi_reduction <minsi>, %select_n3A, %reduce_min3A [1] : vector<32x32000xi32> to vector<32xi32>
    %broadcast_in_dim3A_23 = vector.shape_cast %reduce_min3A_22 : vector<32xi32> to vector<32x1xi32>
    %eq3A_24 = arith.cmpi eq, %broadcast_in_dim3A_23, %get3A_8 : vector<32x1xi32>
    %convert_element_type3A = arith.extui %eq3A_24 : vector<32x1xi1> to vector<32x1xi32>
    %convert_element_type3A_25 = arith.sitofp %convert_element_type3A : vector<32x1xi32> to vector<32x1xf32>
    %reduce_sum3A = arith.constant dense<0.000000e+00> : vector<1xf32>
    %reduce_sum3A_26 = vector.multi_reduction <add>, %convert_element_type3A_25, %reduce_sum3A [0] : vector<32x1xf32> to vector<1xf32>
    %broadcast_in_dim3A_27 = vector.shape_cast %reduce_sum3A_26 : vector<1xf32> to vector<1x1xf32>
    %mul3A = arith.constant 3.125000e-02 : f32
    %mul3A_28 = vector.broadcast %mul3A : f32 to vector<1x1xf32>
    %mul3A_29 = arith.mulf %broadcast_in_dim3A_27, %mul3A_28 : vector<1x1xf32>
    %exp3A = math.exp %mul3A_29 : vector<1x1xf32>
    %mul3A_30 = arith.mulf %get3A_18, %get3A_13 : vector<32x1xf32>
    %reduce_sum3A_31 = arith.constant dense<0.000000e+00> : vector<1xf32>
    %reduce_sum3A_32 = vector.multi_reduction <add>, %mul3A_30, %reduce_sum3A_31 [0] : vector<32x1xf32> to vector<1xf32>
    %broadcast_in_dim3A_33 = vector.shape_cast %reduce_sum3A_32 : vector<1xf32> to vector<1x1xf32>
    %reduce_sum3A_34 = arith.constant dense<0.000000e+00> : vector<1xf32>
    %reduce_sum3A_35 = vector.multi_reduction <add>, %get3A_13, %reduce_sum3A_34 [0] : vector<32x1xf32> to vector<1xf32>
    %broadcast_in_dim3A_36 = vector.shape_cast %reduce_sum3A_35 : vector<1xf32> to vector<1x1xf32>
    %mul3A_37 = arith.mulf %broadcast_in_dim3A, %get3A_13 : vector<32x1xf32>
    %reduce_sum3A_38 = arith.constant dense<0.000000e+00> : vector<1xf32>
    %reduce_sum3A_39 = vector.multi_reduction <add>, %mul3A_37, %reduce_sum3A_38 [0] : vector<32x1xf32> to vector<1xf32>
    %broadcast_in_dim3A_40 = vector.shape_cast %reduce_sum3A_39 : vector<1xf32> to vector<1x1xf32>
    %mul3A_41 = arith.mulf %exp3A, %broadcast_in_dim3A_40 : vector<1x1xf32>
    %mul3A_42 = arith.mulf %exp3A, %broadcast_in_dim3A_36 : vector<1x1xf32>
    %eq3A_43 = arith.constant 0 : i32
    %eq3A_44 = arith.cmpi eq, %arg0, %eq3A_43 : i32
    %convert_element_type3A_45 = arith.extui %eq3A_44 : i1 to i32
    %cond3A = arith.constant 0 : i32
    %cond3A_46 = arith.cmpi ne, %convert_element_type3A_45, %cond3A : i32
    scf.if %cond3A_46 {
      %broadcast_in_dim3A_78 = arith.constant 0.000000e+00 : f32
      %broadcast_in_dim3A_79 = vector.broadcast %broadcast_in_dim3A_78 : f32 to vector<8x128xf32>
      %swap3A_80 = arith.constant 0 : index
      %swap3A_81 = arith.constant 0 : index
      %swap3A_82 = vector.load %arg7[%swap3A_80, %swap3A_81] : memref<8x128xf32, #tpu.memory_space<vmem>>, vector<8x128xf32>
      tpu.vector_store %arg7[%swap3A_80, %swap3A_81], %broadcast_in_dim3A_79 {strides = array<i32>} : memref<8x128xf32, #tpu.memory_space<vmem>>, vector<8x128xf32>,
    } else {
    }
    %get3A_47 = arith.constant 0 : index
    %get3A_48 = arith.constant 0 : index
    %get3A_49 = vector.load %arg7[%get3A_47, %get3A_48] : memref<8x128xf32, #tpu.memory_space<vmem>>, vector<1x1xf32>
    %add3A = arith.addf %get3A_49, %broadcast_in_dim3A_33 : vector<1x1xf32>
    %swap3A = arith.constant 0 : index
    %swap3A_50 = arith.constant 0 : index
    %swap3A_51 = vector.load %arg7[%swap3A, %swap3A_50] : memref<8x128xf32, #tpu.memory_space<vmem>>, vector<1x1xf32>
    tpu.vector_store %arg7[%swap3A, %swap3A_50], %add3A {strides = array<i32>} : memref<8x128xf32, #tpu.memory_space<vmem>>, vector<1x1xf32>,
    %get3A_52 = arith.constant 1 : index
    %get3A_53 = arith.constant 0 : index
    %get3A_54 = vector.load %arg7[%get3A_52, %get3A_53] : memref<8x128xf32, #tpu.memory_space<vmem>>, vector<1x1xf32>
    %add3A_55 = arith.addf %get3A_54, %broadcast_in_dim3A_36 : vector<1x1xf32>
    %swap3A_56 = arith.constant 1 : index
    %swap3A_57 = arith.constant 0 : index
    %swap3A_58 = vector.load %arg7[%swap3A_56, %swap3A_57] : memref<8x128xf32, #tpu.memory_space<vmem>>, vector<1x1xf32>
    tpu.vector_store %arg7[%swap3A_56, %swap3A_57], %add3A_55 {strides = array<i32>} : memref<8x128xf32, #tpu.memory_space<vmem>>, vector<1x1xf32>,
    %get3A_59 = arith.constant 2 : index
    %get3A_60 = arith.constant 0 : index
    %get3A_61 = vector.load %arg7[%get3A_59, %get3A_60] : memref<8x128xf32, #tpu.memory_space<vmem>>, vector<1x1xf32>
    %add3A_62 = arith.addf %get3A_61, %mul3A_41 : vector<1x1xf32>
    %swap3A_63 = arith.constant 2 : index
    %swap3A_64 = arith.constant 0 : index
    %swap3A_65 = vector.load %arg7[%swap3A_63, %swap3A_64] : memref<8x128xf32, #tpu.memory_space<vmem>>, vector<1x1xf32>
    tpu.vector_store %arg7[%swap3A_63, %swap3A_64], %add3A_62 {strides = array<i32>} : memref<8x128xf32, #tpu.memory_space<vmem>>, vector<1x1xf32>,
    %get3A_66 = arith.constant 3 : index
    %get3A_67 = arith.constant 0 : index
    %get3A_68 = vector.load %arg7[%get3A_66, %get3A_67] : memref<8x128xf32, #tpu.memory_space<vmem>>, vector<1x1xf32>
    %add3A_69 = arith.addf %get3A_68, %mul3A_42 : vector<1x1xf32>
    %swap3A_70 = arith.constant 3 : index
    %swap3A_71 = arith.constant 0 : index
    %swap3A_72 = vector.load %arg7[%swap3A_70, %swap3A_71] : memref<8x128xf32, #tpu.memory_space<vmem>>, vector<1x1xf32>
    tpu.vector_store %arg7[%swap3A_70, %swap3A_71], %add3A_69 {strides = array<i32>} : memref<8x128xf32, #tpu.memory_space<vmem>>, vector<1x1xf32>,
    %eq3A_73 = arith.constant 63 : i32
    %eq3A_74 = arith.cmpi eq, %arg0, %eq3A_73 : i32
    %convert_element_type3A_75 = arith.extui %eq3A_74 : i1 to i32
    %cond3A_76 = arith.constant 0 : i32
    %cond3A_77 = arith.cmpi ne, %convert_element_type3A_75, %cond3A_76 : i32
    scf.if %cond3A_77 {
      %get3A_78 = arith.constant 0 : index
      %get3A_79 = arith.constant 0 : index
      %get3A_80 = vector.load %arg7[%get3A_78, %get3A_79] : memref<8x128xf32, #tpu.memory_space<vmem>>, vector<1x1xf32>
      %neg3A = arith.constant 0.000000e+00 : f32
      %neg3A_81 = vector.broadcast %neg3A : f32 to vector<1x1xf32>
      %neg3A_82 = arith.subf %neg3A_81, %get3A_80 : vector<1x1xf32>
      %get3A_83 = arith.constant 1 : index
      %get3A_84 = arith.constant 0 : index
      %get3A_85 = vector.load %arg7[%get3A_83, %get3A_84] : memref<8x128xf32, #tpu.memory_space<vmem>>, vector<1x1xf32>
      %div3A = arith.divf %neg3A_82, %get3A_85 : vector<1x1xf32>
      %get3A_86 = arith.constant 2 : index
      %get3A_87 = arith.constant 0 : index
      %get3A_88 = vector.load %arg7[%get3A_86, %get3A_87] : memref<8x128xf32, #tpu.memory_space<vmem>>, vector<1x1xf32>
      %neg3A_89 = arith.constant 0.000000e+00 : f32
      %neg3A_90 = vector.broadcast %neg3A_89 : f32 to vector<1x1xf32>
      %neg3A_91 = arith.subf %neg3A_90, %get3A_88 : vector<1x1xf32>
      %get3A_92 = arith.constant 3 : index
      %get3A_93 = arith.constant 0 : index
      %get3A_94 = vector.load %arg7[%get3A_92, %get3A_93] : memref<8x128xf32, #tpu.memory_space<vmem>>, vector<1x1xf32>
      %div3A_95 = arith.divf %neg3A_91, %get3A_94 : vector<1x1xf32>
      %swap3A_96 = arith.constant 0 : index
      %swap3A_97 = arith.constant 0 : index
      %swap3A_98 = vector.load %arg5[%swap3A_96, %swap3A_97] : memref<1x1xf32, #tpu.memory_space<vmem>>, vector<1x1xf32>
      tpu.vector_store %arg5[%swap3A_96, %swap3A_97], %div3A {strides = array<i32>} : memref<1x1xf32, #tpu.memory_space<vmem>>, vector<1x1xf32>,
      %mul3A_99 = arith.constant 0.699999988 : f32
      %mul3A_100 = vector.broadcast %mul3A_99 : f32 to vector<1x1xf32>
      %mul3A_101 = arith.mulf %mul3A_100, %div3A_95 : vector<1x1xf32>
      %mul3A_102 = arith.constant 3.000000e-01 : f32
      %mul3A_103 = vector.broadcast %mul3A_102 : f32 to vector<1x1xf32>
      %mul3A_104 = arith.mulf %mul3A_103, %div3A : vector<1x1xf32>
      %add3A_105 = arith.addf %mul3A_101, %mul3A_104 : vector<1x1xf32>
      %swap3A_106 = arith.constant 0 : index
      %swap3A_107 = arith.constant 0 : index
      %swap3A_108 = vector.load %arg6[%swap3A_106, %swap3A_107] : memref<1x1xf32, #tpu.memory_space<vmem>>, vector<1x1xf32>
      tpu.vector_store %arg6[%swap3A_106, %swap3A_107], %add3A_105 {strides = array<i32>} : memref<1x1xf32, #tpu.memory_space<vmem>>, vector<1x1xf32>,
    } else {
    }
    return
  }
  func.func @transform_0(%arg0: i32) -> (i32, i32, i32) {
    %c0_i32 = arith.constant 0 : i32
    %c0_i32_0 = arith.constant 0 : i32
    %c0_i32_1 = arith.constant 0 : i32
    return %arg0, %c0_i32, %c0_i32_0 : i32, i32, i32
  }
  func.func @transform_1(%arg0: i32) -> (i32, i32, i32) {
    %c0_i32 = arith.constant 0 : i32
    %c0_i32_0 = arith.constant 0 : i32
    %c0_i32_1 = arith.constant 0 : i32
    return %arg0, %c0_i32, %c0_i32_0 : i32, i32, i32
  }
  func.func @transform_2(%arg0: i32) -> (i32, i32, i32) {
    %c0_i32 = arith.constant 0 : i32
    %c0_i32_0 = arith.constant 0 : i32
    %c0_i32_1 = arith.constant 0 : i32
    return %arg0, %c0_i32, %c0_i32_0 : i32, i32, i32
  }
  func.func @transform_3(%arg0: i32) -> (i32, i32, i32) {
    %c0_i32 = arith.constant 0 : i32
    %c0_i32_0 = arith.constant 0 : i32
    %c0_i32_1 = arith.constant 0 : i32
    return %arg0, %c0_i32, %c0_i32_0 : i32, i32, i32
  }
  func.func @transform_4(%arg0: i32) -> (i32, i32) {
    %c0_i32 = arith.constant 0 : i32
    %c0_i32_0 = arith.constant 0 : i32
    %c0_i32_1 = arith.constant 0 : i32
    return %c0_i32, %c0_i32_0 : i32, i32
  }
  func.func @transform_5(%arg0: i32) -> (i32, i32) {
    %c0_i32 = arith.constant 0 : i32
    %c0_i32_0 = arith.constant 0 : i32
    %c0_i32_1 = arith.constant 0 : i32
    return %c0_i32, %c0_i32_0 : i32, i32
  }
}

</mosaic_0001>

<sc_bundles>
// kernel: kernel.4.cloned.1.call-start
scs
__scs_entry_jumppad:
0x0: {  	(pc) =	sbr.rel $0x88, $3  }
0x1: {  	(tag) =	ssettag $0x0;
	lr =	simm.s32 $0x1  }
0x2: {  	[smem:$0x3F9E] =	sst lr;
	_ =	strace $0xD0000000  }
0x3: {  	_ = 	snop  }
0x4: {  	_ = 	snop  }
0x5: {  	_ = 	snop  }
0x6: {  	_ = 	snop  }
0x7: {  	_ = 	snop  }
__scs_overlays_trampoline_lowered:
0x8: {  	[smem:$0x3FAD] =	sst s0  }
0x9: {  	[smem:$0x3FAE] =	sst s1  }
0xa: {  	[smem:$0x3FAF] =	sst s2  }
0xb: {  	[smem:$0x3FB0] =	sst s3  }
0xc: {  	[smem:$0x3FB1] =	sst s4  }
0xd: {  	[smem:$0x3FB2] =	sst s5  }
0xe: {  	[smem:$0x3FB3] =	sst s6  }
0xf: {  	[smem:$0x3FB4] =	sst s7  }
0x10: {  	[smem:$0x3FB5] =	sst s8  }
0x11: {  	[smem:$0x3FB6] =	sst s9;
	s0 =	simm.s32 @!p0 $0x0  }
0x12: {  	s1 =	sld [smem:$0x3F9C];
	s0 =	simm.s32 @p0 $0x1  }
0x13: {  	[smem:$0x3FB7] =	sst s0;
	s0 =	simm.s32 @!p1 $0x0  }
0x14: {  	s2 =	sld [smem:$0x3F9B];
	s0 =	simm.s32 @p1 $0x1  }
0x15: {  	[smem:$0x3FB8] =	sst s0;
	s0 =	simm.s32 @!p2 $0x0  }
0x16: {  	s3 =	sld [smem:$0x3FDB];
	s0 =	simm.s32 @p2 $0x1  }
0x17: {  	s4 =	simm.s32 $0x1BF5;
	[smem:$0x3FBA] =	sst s0  }
0x18: {  	s0 =	sld [smem:$0x3F9D];
	_ =	swait.ge [sflag:s4], $0x0  }
0x19: {  	s7 =	sld [smem:$0x3F9E]  }
0x1a: {  	s8 =	sadd.s32 $0xFFFFE003, lr  }
0x1b: {  	s9 =	sadd.s32 $0xFFFFFEF7, lr;
	s5 =	simm.s32 $0xFFFFFFFF;
	p2 =	slt.u32 s8, $0xFFFFF086  }
0x1c: {  	p1 =	slt.u32 s9, $0xF7A;
	s5 =	simm.s32 @!p2 $0x0  }
0x1d: {  	s5 =	simm.s32 @p1 $0x1;
	p0 =	seq.s32 s7, s2  }
0x1e: {  	s7 =	smul.u32 @!p0 $0xF7A, s2;
	p2 =	seq.s32 @!p0 s5, $0x0  }
0x1f: {  	s9 =	smul.u32 $0xF7A, s1;
	s8 =	simm.s32 @!p0 $0x1BF5;
	p2 =	por !p2, p0  }
0x20: {  	[sflag:s8] =	ssyncset.s32 @!p0 $0xFFFFF086;
	s6 =	sadd.s32 @!p0 s3, s7;
	s7 =	simm.s32 @!p0 $0x108  }
0x21: {  	s3 =	sadd.s32 s3, s9;
	s6 =	sadd.s32 @!p0 $0x88, s6;
	s7 =	simm.s32 @p2 $0x1082  }
0x22: {  	[simem:s7], [sflag:s8] =	dma.local @!p0 [hbm:s6], $0xF7A  }
0x23: {  	s9 =	sor.u32 $0xD0000000, s2;
	s6 =	simm.s32 $0x108;
	_ =	swait.ge @!p0 [sflag:s8], $0x0  }
0x24: {  	s3 =	sadd.s32 $0x88, s3;
	s6 =	simm.s32 @!p1 $0x1082;
	[sflag:s4] =	ssyncset.s32 $0xFFFFF086  }
0x25: {  	[simem:s6], [sflag:s4] =	dma.local [hbm:s3], $0xF7A  }
0x26: {  	[smem:$0x3F9E] =	sst s1;
	(tag) =	ssettag s2;
	_ =	strace s9  }
0x27: {  	s1 =	sld [smem:$0x3FAE]  }
0x28: {  	s2 =	sld [smem:$0x3FAF]  }
0x29: {  	s4 =	sld [smem:$0x3FB1]  }
0x2a: {  	p0 =	seq.s32 s5, $0x0;
	s5 =	sld [smem:$0x3FB2]  }
0x2b: {  	s6 =	sld [smem:$0x3FB3]  }
0x2c: {  	s7 =	sld [smem:$0x3FB4]  }
0x2d: {  	s3 =	simm.s32 $0x108;
	s8 =	sld [smem:$0x3FB5]  }
0x2e: {  	s3 =	simm.s32 @!p0 $0x1082;
	s9 =	sld [smem:$0x3FB6]  }
0x2f: {  	lr =	sadd.s32 s0, s3;
	s0 =	sld [smem:$0x3FAD]  }
0x30: {  	s3 =	sld [smem:$0x3FB0]  }
0x31: {  	[smem:$0x3FB9] =	sst s10  }
0x32: {  	s10 =	sld [smem:$0x3FB7];
	_ =	sdelay $0x3  }
0x33: {  	p0 =	seq.s32 s10, $0x1;
	s10 =	sld [smem:$0x3FB9];
	_ =	sdelay $0x3  }
0x34: {  	[smem:$0x3FB9] =	sst s10  }
0x35: {  	s10 =	sld [smem:$0x3FB8];
	_ =	sdelay $0x3  }
0x36: {  	p1 =	seq.s32 s10, $0x1;
	s10 =	sld [smem:$0x3FB9];
	_ =	sdelay $0x3  }
0x37: {  	[smem:$0x3FB9] =	sst s10  }
0x38: {  	s10 =	sld [smem:$0x3FBA]  }
0x39: {  	_ = 	snop;
	(pc) =	sbr.ind lr, $3  }
0x3a: {  	_ = 	snop  }
0x3b: {  	_ = 	snop  }
0x3c: {  	p2 =	seq.s32 s10, $0x1;
	s10 =	sld [smem:$0x3FB9]  }
0x3d: {  	_ =	shalt  }
0x3e: {  	_ =	shalt  }
0x3f: {  	_ =	shalt  }
0x40: {  	_ =	shalt  }
0x41: {  	_ =	shalt  }
0x42: {  	_ =	shalt  }
0x43: {  	_ =	shalt  }
0x44: {  	_ =	shalt  }
0x45: {  	_ =	shalt  }
0x46: {  	_ =	shalt  }
0x47: {  	_ =	shalt  }
0x48: {  	_ =	shalt  }
0x49: {  	_ =	shalt  }
0x4a: {  	_ =	shalt  }
0x4b: {  	_ =	shalt  }
0x4c: {  	_ =	shalt  }
0x4d: {  	_ =	shalt  }
0x4e: {  	_ =	shalt  }
0x4f: {  	_ =	shalt  }
0x50: {  	_ =	shalt  }
0x51: {  	_ =	shalt  }
0x52: {  	_ =	shalt  }
0x53: {  	_ =	shalt  }
0x54: {  	_ =	shalt  }
0x55: {  	_ =	shalt  }
0x56: {  	_ =	shalt  }
0x57: {  	_ =	shalt  }
0x58: {  	_ =	shalt  }
0x59: {  	_ =	shalt  }
0x5a: {  	_ =	shalt  }
0x5b: {  	_ =	shalt  }
0x5c: {  	_ =	shalt  }
0x5d: {  	_ =	shalt  }
0x5e: {  	_ =	shalt  }
0x5f: {  	_ =	shalt  }
0x60: {  	_ =	shalt  }
0x61: {  	_ =	shalt  }
0x62: {  	_ =	shalt  }
0x63: {  	_ =	shalt  }
0x64: {  	_ =	shalt  }
0x65: {  	_ =	shalt  }
0x66: {  	_ =	shalt  }
0x67: {  	_ =	shalt  }
0x68: {  	_ =	shalt  }
0x69: {  	_ =	shalt  }
0x6a: {  	_ =	shalt  }
0x6b: {  	_ =	shalt  }
0x6c: {  	_ =	shalt  }
0x6d: {  	_ =	shalt  }
0x6e: {  	_ =	shalt  }
0x6f: {  	_ =	shalt  }
0x70: {  	_ =	shalt  }
0x71: {  	_ =	shalt  }
0x72: {  	_ =	shalt  }
0x73: {  	_ =	shalt  }
0x74: {  	_ =	shalt  }
0x75: {  	_ =	shalt  }
0x76: {  	_ =	shalt  }
0x77: {  	_ =	shalt  }
0x78: {  	_ =	shalt  }
0x79: {  	_ =	shalt  }
0x7a: {  	_ =	shalt  }
0x7b: {  	_ =	shalt  }
0x7c: {  	_ =	shalt  }
0x7d: {  	_ =	shalt  }
0x7e: {  	_ =	shalt  }
0x7f: {  	_ =	shalt  }
0x80: {  	_ =	shalt  }
0x81: {  	_ =	shalt  }
0x82: {  	_ =	shalt  }
0x83: {  	_ =	shalt  }
0x84: {  	_ =	shalt  }
0x85: {  	_ =	shalt  }
0x86: {  	_ =	shalt  }
0x87: {  	_ =	shalt  }
.Lfunc_end0:
.L_simem_size_0:
called_computation_lowered:
.L_overlay_start_0:
0x88: {  	s2 =	sld [smem:$0x3FD9]  }
0x89: {  	s3 =	sld [smem:$0x3FFE];
	_ =	sdelay $0x1  }
0x8a: {  	s1 =	srdreg.scid  }
0x8b: {  	s0 =	sand.u32 $0x1, s1  }
0x8c: {  	s16 =	sshll.u32 s0, $0xA;
	s2 =	sadd.s32 s3, s2  }
0x8d: {  	s2 =	sadd.s32 s2, s16  }
0x8e: {  	[smem:$0x3FC5] =	sst s2  }
0x8f: {  	_ = 	snop  }
0x90: {  	(tm) =	ssettm $0x1  }
0x91: {  	s17 =	sld [smem:$0x3FFB];
	_ =	sdelay $0x3  }
0x92: {  	_ =	strace s17  }
0x93: {  	s2 =	sld [smem:$0x3FFC];
	_ =	sdelay $0x3  }
0x94: {  	_ =	strace s2  }
0x95: {  	s2 =	sld [smem:$0x3FFD];
	_ =	sdelay $0x3  }
0x96: {  	_ =	strace s2  }
0x97: {  	_ =	strace $0x8FFFFFFF  }
0x98: {  	s18 =	sld [smem:$0x3FDB];
	_ =	sdelay $0x1  }
0x99: {  	s19 =	simm.s32 $_scs_section_size  }
0x9a: {  	s4 =	simm.s32 $_size__tile_overlayer_lowered;
	s5 =	simm.s32 $_tile_overlayer_lowered  }
0x9b: {  	s22 =	simm.s32 $0x1BFF;
	s21 =	sshll.u32 s5, $0x1;
	s2 =	sadd.s32 s19, s18  }
0x9c: {  	s6 =	simm.s32 $0x0;
	s20 =	sshll.u32 s4, $0x1;
	s4 =	sadd.s32 s21, s2  }
0x9d: {  	[timem:s6], [sflag:s22] =	dma.local [hbm:s4], s20  }
0x9e: {  	_ =	swait.ge [sflag:s22], s20  }
0x9f: {  	s3 =	ssub.s32 $0x0, s20;
	[sflag:s22] =	ssyncset.done $0x0  }
0xa0: {  	[sflag:s22] =	ssyncadd.s32 s3;
	_ =	sdelay $0x1  }
0xa1: {  	s23 =	simm.s32 $0x1B8B  }
0xa2: {  	_ =	swait.ge [sflag:s23], $0x1  }
0xa3: {  	[sflag:s23] =	ssyncset.done $0x0  }
0xa4: {  	s25 =	simm.s32 $0x1B8E;
	s24 =	sld [smem:$0x3FFE];
	[sflag:s23] =	ssyncadd.s32 $0xFFFFFFFF  }
0xa5: {  	s26 =	simm.s32 $execute0_lowered;
	[smem:$0x3FD2] =	sst s25  }
0xa6: {  	s4 =	sshll.u32 s26, $0x1;
	_ =	strace $0x80000046;
	[dreg:$0x1] =	wrdreg $0xFFFFFFFF  }
0xa7: {  	s28 =	simm.s32 $_size_execute0_lowered;
	s2 =	sadd.s32 s2, s4;
	[dreg:$0x0] =	wrdreg $0x0  }
0xa8: {  	s4 =	sshll.u32 s28, $0x1;
	[dreg:$0x2] =	wrdreg s2  }
0xa9: {  	[dreg:$0x3] =	wrdreg s4  }
0xaa: {  	[dreg:$0x4] =	wrdreg $0xC0  }
0xab: {  	_ =	task [dreg:s6], $0x5FFFF  }
0xac: {  	[dreg:$0x1] =	wrdreg $0xFFFFFFFF  }
0xad: {  	[dreg:$0x0] =	wrdreg $0x60  }
0xae: {  	[dreg:$0x2] =	wrdreg s24  }
0xaf: {  	[dreg:$0x3] =	wrdreg $0x9  }
0xb0: {  	_ =	task.clear_ibuf [dreg:s6], $0x4FFFF;
	_ =	strace $0x90000046  }
0xb1: {  	s29 =	simm.s32 $0x9;
	_ =	strace $0x80000048  }
0xb2: {  	_ =	swait.ge [sflag:s29], $0x1  }
0xb3: {  	[sflag:s29] =	ssyncadd.s32 $0xFFFFFFFF  }
0xb4: {  	_ =	strace $0x90000048  }
0xb5: {  	_ =	sfence  }
0xb6: {  	s30 =	sld [smem:$0x0];
	_ =	sdelay $0x2  }
0xb7: {  	s31 =	sshll.u32 s1, $0xD;
	s1 =	sshrl.u32 s1, $0x2  }
0xb8: {  	s3 =	sand.u32 $0x4000, s31;
	s1 =	sadd.s32 s1, s30  }
0xb9: {  	s0 =	sor.u32 s3, s0;
	s1 =	sshll.u32 s1, $0x11  }
0xba: {  	s0 =	sor.u32 s1, s0  }
0xbb: {  	s0 =	sadd.s32 $0x8F2B, s0  }
0xbc: {  	[sflag:s0] =	ssyncadd.remote.s32 $0x1  }
0xbd: {  	_ =	sfence.sel $0xFFFF  }
0xbe: {  	[dreg:$0x0] =	wrdreg $0xFFFFFFFF;
	(pc) =	sbr.abs _section_cstart, $3  }
0xbf: {  	[dreg:$0x1] =	wrdreg $0xFFFFFFFF  }
0xc0: {  	_ =	task.clear_ibuf [dreg:s6], $0x2FFFF;
	_ =	strace $0x9FFFFFFF  }
0xc1: {  	(tm) =	ssettm $0x7FFFFFFF  }
tec
execute0_lowered:
.L_overlay_start_1:
0x0: {  	(tag) =	ssettag $0x1  }
0x1: {  	s1 =	srdreg.scid  }
0x2: {  	s0 =	stileid.u32;
	s5 =	sand.u32 $0x1, s1  }
0x3: {  	s29 =	sshll.u32 s0, $0x7;
	s2 =	sshll.u32 s5, $0x6  }
0x4: {  	s6 =	rddreg [dreg:$0x0];
	s7 =	sor.u32 s2, s29  }
0x5: {  	s1 =	rddreg [dreg:$0x1];
	s2 =	simm.s32 $0x0;
	s3 =	sshrl.u32 s7, $0x3  }
0x6: {  	[smem:$0x7FF] =	sst s2;
	s10 =	sadd.s32 s3, s6  }
0x7: {  	_ =	strace $0x80000047;
	s3 =	simm.s32 $0x2;
	s4 =	sadd.s32 $0x7D0C00, s10  }
0x8: {  	[tilespmem:s2], [sflag:$0x2] =	stream.linear.gather [hbm4b:s4+s2], $0x40, $0x38;
	[tilespmem:$0x180] =	vst v63  }
0x9: {  	_ =	swait.ge [sflag:s3], $0x40  }
0xa: {  	s8 =	sor.u32 $0x30, s7;
	[sflag:s3] =	ssyncset.done $0x0  }
0xb: {  	s9 =	sor.u32 $0x20, s7;
	v0 =	vmov s8;
	[sflag:s3] =	ssyncadd.s32 $0xFFFFFFC0  }
0xc: {  	v4 =	vlaneseq.u32;
	v2 =	vmov s9;
	v0 =	vmul.u32 $0x7D00, v0;
	v3 =	vld [tilespmem:$0x30]  }
0xd: {  	v4 =	vmul.u32 $0x7D00, v4;
	v1 =	vmov s7;
	s7 =	sor.u32 $0x10, s7;
	v2 =	vmul.u32 $0x7D00, v2;
	v5 =	vld [tilespmem:$0x20]  }
0xe: {  	v1 =	vmul.u32 $0x7D00, v1;
	v6 =	vmov s7;
	v0 =	vbroadcast v0, $0x0;
	v7 =	vld [tilespmem:$0x0]  }
0xf: {  	v6 =	vmul.u32 $0x7D00, v6;
	v2 =	vbroadcast v2, $0x0;
	v8 =	vld [tilespmem:$0x10]  }
0x10: {  	s30 =	ssub.s32 $0x2, s5;
	v9 =	vbroadcast v1, $0x0;
	v0 =	vadd.s32 v4, v0  }
0x11: {  	s31 =	sshrl.u32 s30, $0x1;
	v6 =	vbroadcast v6, $0x0;
	v1 =	vadd.s32 v4, v2;
	v2 =	vadd.s32 v3, v0  }
0x12: {  	s11 =	ssub.s32 s30, s31;
	v5 =	vadd.s32 v5, v1;
	[tilespmem:$0xB0] =	vst v2;
	v2 =	vadd.s32 v4, v9  }
0x13: {  	s5 =	sadd.s32 $0xC00, s6;
	s11 =	smax.u32 s11, $0x1;
	v3 =	vadd.s32 v4, v6;
	[tilespmem:$0xA0] =	vst v5;
	v4 =	vadd.s32 v7, v2  }
0x14: {  	s6 =	simm.s32 $0x40;
	s8 =	simm.s32 $0x80;
	p0 =	sne.s32 s11, $0x1;
	[tilespmem:$0x80] =	vst v4;
	v4 =	vadd.s32 v8, v3  }
.Ltmp0:
0x15: {  	s7 =	simm.s32 $0x100;
	s9 =	simm.s32 $0x1;
	[tilespmem:$0x90] =	vst v4;
	(pc) =	sbr.rel @!p0 .LBB2_2-.Ltmp0, $4  }
0x16: {  	[tilespmem:s7], [sflag:$0x1] =	stream.indirect.gather [hbm4b:s5+s6], $0x1, s8, s6, $0xb8;
	[tilespmem:$0x180] =	vst v63  }
0x17: {  	_ =	swait.ge [sflag:s9], $0x40  }
0x18: {  	[sflag:s9] =	ssyncset.done $0x0  }
0x19: {  	s10 =	sadd.s32 $0x7D0E00, s10;
	s11 =	sadd.s32 $0xFFFFFFFF, s11;
	[sflag:s9] =	ssyncadd.s32 $0xFFFFFFC0  }
.LBB2_1:
0x1a: {  	[hbm4b:s10+s2] =	stream.linear.scatter [tilespmem:s7], [sflag:$0x2], $0x40, $0x38;
	[tilespmem:$0x180] =	vst v63  }
0x1b: {  	p0 =	sne.s32 s11, $0x1;
	s11 =	sadd.s32 $0xFFFFFFFF, s11;
	_ =	swait.ge [sflag:s3], $0x40  }
0x1c: {  	[sflag:s3] =	ssyncset.done $0x0  }
0x1d: {  	[sflag:s3] =	ssyncadd.s32 $0xFFFFFFC0  }
0x1e: {  	[tilespmem:s2], [sflag:$0x2] =	stream.linear.gather [hbm4b:s4+s2], $0x40, $0x38;
	[tilespmem:$0x180] =	vst v63  }
0x1f: {  	_ =	swait.ge [sflag:s3], $0x40  }
0x20: {  	[sflag:s3] =	ssyncset.done $0x0  }
0x21: {  	[sflag:s3] =	ssyncadd.s32 $0xFFFFFFC0  }
0x22: {  	v4 =	vld [tilespmem:$0x30]  }
0x23: {  	v5 =	vld [tilespmem:$0x20]  }
0x24: {  	v6 =	vld [tilespmem:$0x0]  }
0x25: {  	v7 =	vld [tilespmem:$0x10];
	_ =	sdelay $0x1  }
0x26: {  	v4 =	vadd.s32 v4, v0  }
0x27: {  	v5 =	vadd.s32 v5, v1;
	[tilespmem:$0xB0] =	vst v4  }
0x28: {  	v4 =	vadd.s32 v6, v2;
	[tilespmem:$0xA0] =	vst v5  }
0x29: {  	[tilespmem:$0x80] =	vst v4;
	v4 =	vadd.s32 v7, v3  }
.Ltmp1:
0x2a: {  	[tilespmem:$0x90] =	vst v4;
	(pc) =	sbr.rel @p0 .LBB2_1-.Ltmp1, $4  }
0x2b: {  	[tilespmem:s7], [sflag:$0x1] =	stream.indirect.gather [hbm4b:s5+s6], $0x1, s8, s6, $0xb8;
	[tilespmem:$0x180] =	vst v63  }
0x2c: {  	_ =	swait.ge [sflag:s9], $0x40  }
0x2d: {  	[sflag:s9] =	ssyncset.done $0x0  }
0x2e: {  	[sflag:s9] =	ssyncadd.s32 $0xFFFFFFC0  }
.LBB2_2:
0x2f: {  	[hbm4b:s10+s2] =	stream.linear.scatter [tilespmem:s7], [sflag:$0x2], $0x40, $0x38;
	[tilespmem:$0x180] =	vst v63  }
0x30: {  	_ =	swait.ge [sflag:s3], $0x40  }
0x31: {  	[sflag:s3] =	ssyncset.done $0x0  }
0x32: {  	[sflag:s3] =	ssyncadd.s32 $0xFFFFFFC0  }
0x33: {  	_ =	sfence.sel $0x180000  }
0x34: {  	[bflag:$0x0] =	sbarrier.arrive $0xFFFF  }
0x35: {  	p0 =	sne.s32 s0, $0x0;
	_ =	strace $0x90000047  }
0x36: {  	s0 =	sadd.s32 @!p0 $0x100000, s1;
	[bflag:$0x2] =	sbarrier.arrive $0xFFFF  }
0x37: {  	[sflag:s0] =	ssyncadd.tile.s32 @!p0 $0x1;
	_ =	shalt  }
.Lfunc_end2:
_tile_overlayer_lowered:
.L_overlay_start_2:
0x38: {  	(tag) =	ssettag $0x2  }
0x39: {  	s0 =	rddreg [dreg:$0x0];
	s2 =	stileid.u32  }
0x3a: {  	s1 =	rddreg [dreg:$0x1];
	p0 =	sne.s32 s2, $0x0  }
0x3b: {  	s3 =	rddreg [dreg:$0x2];
	[bflag:$0x3] =	sbarrier.arrive $0xFFFF;
	s2 =	simm.s32 @!p0 $0x1C02  }
0x3c: {  	[timem:s3], [sflag:s2] =	dma.local @!p0 [hbm:s0], s1  }
0x3d: {  	s0 =	simm.s32 @!p0 $0x2  }
0x3e: {  	_ =	swait.ge @!p0 [sflag:s0], s1  }
0x3f: {  	s1 =	ssub.s32 @!p0 $0x0, s1;
	[sflag:s0] =	ssyncset.done @!p0 $0x0  }
0x40: {  	[sflag:s0] =	ssyncadd.s32 @!p0 s1  }
0x41: {  	[bflag:$0x3] =	sbarrier.arrive $0xFFFF  }
0x42: {  	_ =	shalt  }

</sc_bundles>
